<compile_context>
chip_gen: v7x
topology: tpu7x:2x2x1
jax: 0.10.2.dev20260603
libtpu: 0.0.44.dev20260713+nightly
codegen_flags: <defaults>
</compile_context>

<pallas_src>
import functools

import jax
import jax.numpy as jnp
from jax.experimental import pallas as pl

_NN = 10
_SIGMA = 5.0
_BIG = 3.0e38


def _nnencode_block(pts_ref, cc_ref, out_ref):
    pts = pts_ref[...]
    x = pts[:, 0:1]
    y = pts[:, 1:2]
    cx = cc_ref[0:1, :]
    cy = cc_ref[1:2, :]
    p2 = x * x + y * y
    c2 = cx * cx + cy * cy
    cross = x * cx + y * cy
    d2 = jnp.maximum(p2 + c2 - 2.0 * cross, 0.0)

    cur = d2
    thr = None
    for _ in range(_NN):
        thr = jnp.min(cur, axis=1, keepdims=True)
        cur = jnp.where(cur <= thr, _BIG, cur)

    keep = d2 <= thr
    w = jnp.where(keep, jnp.exp(d2 * (-1.0 / (2.0 * _SIGMA ** 2))), 0.0)
    s = jnp.sum(w, axis=1, keepdims=True)
    out_ref[...] = jnp.where(keep, w / s, 0.0)


@functools.partial(jax.jit, static_argnames=("block_rows", "interpret"))
def _nnencode(pts_nd, cc, block_rows=512, interpret=False):
    B, S, D = pts_nd.shape
    K = cc.shape[0]
    P = B * S
    pts_flt = pts_nd.reshape(P, D)
    cc_t = cc.T
    grid = (P // block_rows,)
    out = pl.pallas_call(
        _nnencode_block,
        grid=grid,
        in_specs=[
            pl.BlockSpec((block_rows, D), lambda i: (i, 0)),
            pl.BlockSpec((D, K), lambda i: (0, 0)),
        ],
        out_specs=pl.BlockSpec((block_rows, K), lambda i: (i, 0)),
        out_shape=jax.ShapeDtypeStruct((P, K), jnp.float32),
        interpret=interpret,
    )(pts_flt, cc_t)
    return out.reshape(B, S, K)


def kernel(pts_nd, cc):
    return _nnencode(pts_nd, cc)

# --- scband reference (transcript-rebuilt; emitter-appended) ---
"""Pipeline reference for scband-nnencode-82162724372506 (READ-ONLY COPY).

The authoritative reference and input builder live on the scoring server;
editing this copy changes nothing except your own understanding.
"""

import jax, jax.numpy as jnp
import numpy as np

NN = 10
SIGMA = 5.0


def setup_inputs(seed: int = 0) -> dict:
    key = jax.random.key(seed)
    k1, k2 = jax.random.split(key)
    # points in ab color space (roughly [-110, 110]); scale randn accordingly
    pts_nd = jax.random.normal(k1, (16, 4096, 2), dtype=jnp.float32) * 40.0
    # cluster centers loaded from km_filepath in the original; synthesized here
    cc = jax.random.normal(k2, (313, 2), dtype=jnp.float32) * 40.0
    return {"pts_nd": pts_nd, "cc": cc}


def reference(pts_nd, cc):
    # encode_points_mtx_nd with axis=2 (feature axis is last)
    B, S, D = pts_nd.shape
    K = cc.shape[0]
    # flatten_nd_array: collapse all non-feature axes -> (P, D)
    pts_flt = pts_nd.reshape(-1, D)
    P = pts_flt.shape[0]
    # brute-force NN search (replaces sklearn ball_tree kneighbors)
    p2 = jnp.sum(pts_flt * pts_flt, axis=1, keepdims=True)      # (P, 1)
    c2 = jnp.sum(cc * cc, axis=1)[None, :]                      # (1, K)
    d2 = p2 + c2 - 2.0 * (pts_flt @ cc.T)                       # (P, K)
    d2 = jnp.maximum(d2, 0.0)
    neg_top, inds = jax.lax.top_k(-d2, NN)                      # smallest distances
    top_d2 = -neg_top                                           # (P, NN), ascending
    # gaussian kernel weights: exp(-dists**2 / (2 sigma^2)), normalized
    wts = jnp.exp(-top_d2 / (2.0 * SIGMA ** 2))
    wts = wts / jnp.sum(wts, axis=1, keepdims=True)
    # scatter weights into (P, K) encoding: pts_enc_flt[arange(P)[:,None], inds] = wts
    enc = jnp.zeros((P, K), dtype=pts_flt.dtype)
    enc = enc.at[jnp.arange(P)[:, None], inds].set(wts)
    # unflatten_2d_array back to (B, S, K)
    return enc.reshape(B, S, K)

if __name__ == "__main__":
    import jax
    _d = setup_inputs()
    print(jax.jit(kernel)(*tuple(_d.values())))

</pallas_src>

<mosaic_0001>
module attributes {stable_mosaic.version = 14 : i64} {
  func.func @_nnencode_block(%arg0: i32, %arg1: memref<512x2xf32, #tpu.memory_space<vmem>>, %arg2: memref<2x313xf32, #tpu.memory_space<vmem>>, %arg3: memref<512x313xf32, #tpu.memory_space<vmem>>) attributes {dimension_semantics = [#tpu.dimension_semantics<arbitrary>], iteration_bounds = array<i64: 128>, scalar_prefetch = 0 : i64, scratch_operands = 0 : i64, tpu.core_type = #tpu.core_type<tc>, window_params = [{transform_indices = @transform_0, window_bounds = array<i64: 512, 2>}, {pipeline_mode = #tpu.pipeline_mode<synchronous>, transform_indices = @transform_1, window_bounds = array<i64: 2, 313>}, {transform_indices = @transform_2, window_bounds = array<i64: 512, 313>}]} {
    %get3A = arith.constant 0 : index
    %get3A_0 = arith.constant 0 : index
    %get3A_1 = vector.load %arg1[%get3A, %get3A_0] : memref<512x2xf32, #tpu.memory_space<vmem>>, vector<512x2xf32>
    %slice3A = vector.extract_strided_slice %get3A_1 {offsets = [0, 0], sizes = [512, 1], strides = [1, 1]} : vector<512x2xf32> to vector<512x1xf32>
    %slice3A_2 = vector.extract_strided_slice %get3A_1 {offsets = [0, 1], sizes = [512, 1], strides = [1, 1]} : vector<512x2xf32> to vector<512x1xf32>
    %get3A_3 = arith.constant 0 : index
    %get3A_4 = arith.constant 0 : index
    %get3A_5 = vector.load %arg2[%get3A_3, %get3A_4] : memref<2x313xf32, #tpu.memory_space<vmem>>, vector<1x313xf32>
    %get3A_6 = arith.constant 1 : index
    %get3A_7 = arith.constant 0 : index
    %get3A_8 = vector.load %arg2[%get3A_6, %get3A_7] : memref<2x313xf32, #tpu.memory_space<vmem>>, vector<1x313xf32>
    %mul3A = arith.mulf %slice3A, %slice3A : vector<512x1xf32>
    %mul3A_9 = arith.mulf %slice3A_2, %slice3A_2 : vector<512x1xf32>
    %add3A = arith.addf %mul3A, %mul3A_9 : vector<512x1xf32>
    %mul3A_10 = arith.mulf %get3A_5, %get3A_5 : vector<1x313xf32>
    %mul3A_11 = arith.mulf %get3A_8, %get3A_8 : vector<1x313xf32>
    %add3A_12 = arith.addf %mul3A_10, %mul3A_11 : vector<1x313xf32>
    %mul3A_13 = vector.broadcast %slice3A : vector<512x1xf32> to vector<512x313xf32>
    %mul3A_14 = vector.broadcast %get3A_5 : vector<1x313xf32> to vector<512x313xf32>
    %mul3A_15 = arith.mulf %mul3A_13, %mul3A_14 : vector<512x313xf32>
    %mul3A_16 = vector.broadcast %slice3A_2 : vector<512x1xf32> to vector<512x313xf32>
    %mul3A_17 = vector.broadcast %get3A_8 : vector<1x313xf32> to vector<512x313xf32>
    %mul3A_18 = arith.mulf %mul3A_16, %mul3A_17 : vector<512x313xf32>
    %add3A_19 = arith.addf %mul3A_15, %mul3A_18 : vector<512x313xf32>
    %add3A_20 = vector.broadcast %add3A : vector<512x1xf32> to vector<512x313xf32>
    %add3A_21 = vector.broadcast %add3A_12 : vector<1x313xf32> to vector<512x313xf32>
    %add3A_22 = arith.addf %add3A_20, %add3A_21 : vector<512x313xf32>
    %mul3A_23 = arith.constant 2.000000e+00 : f32
    %mul3A_24 = vector.broadcast %mul3A_23 : f32 to vector<512x313xf32>
    %mul3A_25 = arith.mulf %mul3A_24, %add3A_19 : vector<512x313xf32>
    %sub3A = arith.subf %add3A_22, %mul3A_25 : vector<512x313xf32>
    %max3A = arith.constant 0.000000e+00 : f32
    %max3A_26 = vector.broadcast %max3A : f32 to vector<512x313xf32>
    %max3A_27 = arith.maximumf %sub3A, %max3A_26 : vector<512x313xf32>
    %reduce_min3A = arith.constant dense<0x7F800000> : vector<512xf32>
    %reduce_min3A_28 = vector.multi_reduction <minimumf>, %max3A_27, %reduce_min3A [1] : vector<512x313xf32> to vector<512xf32>
    %broadcast_in_dim3A = vector.shape_cast %reduce_min3A_28 : vector<512xf32> to vector<512x1xf32>
    %le3A = vector.broadcast %broadcast_in_dim3A : vector<512x1xf32> to vector<512x313xf32>
    %le3A_29 = arith.cmpf ole, %max3A_27, %le3A : vector<512x313xf32>
    %jit3A = arith.constant 3.000000e+38 : f32
    %broadcast_in_dim3A_30 = vector.broadcast %jit3A : f32 to vector<512x313xf32>
    %select_n3A = arith.select %le3A_29, %broadcast_in_dim3A_30, %max3A_27 : vector<512x313xi1>, vector<512x313xf32>
    %reduce_min3A_31 = arith.constant dense<0x7F800000> : vector<512xf32>
    %reduce_min3A_32 = vector.multi_reduction <minimumf>, %select_n3A, %reduce_min3A_31 [1] : vector<512x313xf32> to vector<512xf32>
    %broadcast_in_dim3A_33 = vector.shape_cast %reduce_min3A_32 : vector<512xf32> to vector<512x1xf32>
    %le3A_34 = vector.broadcast %broadcast_in_dim3A_33 : vector<512x1xf32> to vector<512x313xf32>
    %le3A_35 = arith.cmpf ole, %select_n3A, %le3A_34 : vector<512x313xf32>
    %jit3A_36 = arith.constant 3.000000e+38 : f32
    %broadcast_in_dim3A_37 = vector.broadcast %jit3A_36 : f32 to vector<512x313xf32>
    %select_n3A_38 = arith.select %le3A_35, %broadcast_in_dim3A_37, %select_n3A : vector<512x313xi1>, vector<512x313xf32>
    %reduce_min3A_39 = arith.constant dense<0x7F800000> : vector<512xf32>
    %reduce_min3A_40 = vector.multi_reduction <minimumf>, %select_n3A_38, %reduce_min3A_39 [1] : vector<512x313xf32> to vector<512xf32>
    %broadcast_in_dim3A_41 = vector.shape_cast %reduce_min3A_40 : vector<512xf32> to vector<512x1xf32>
    %le3A_42 = vector.broadcast %broadcast_in_dim3A_41 : vector<512x1xf32> to vector<512x313xf32>
    %le3A_43 = arith.cmpf ole, %select_n3A_38, %le3A_42 : vector<512x313xf32>
    %jit3A_44 = arith.constant 3.000000e+38 : f32
    %broadcast_in_dim3A_45 = vector.broadcast %jit3A_44 : f32 to vector<512x313xf32>
    %select_n3A_46 = arith.select %le3A_43, %broadcast_in_dim3A_45, %select_n3A_38 : vector<512x313xi1>, vector<512x313xf32>
    %reduce_min3A_47 = arith.constant dense<0x7F800000> : vector<512xf32>
    %reduce_min3A_48 = vector.multi_reduction <minimumf>, %select_n3A_46, %reduce_min3A_47 [1] : vector<512x313xf32> to vector<512xf32>
    %broadcast_in_dim3A_49 = vector.shape_cast %reduce_min3A_48 : vector<512xf32> to vector<512x1xf32>
    %le3A_50 = vector.broadcast %broadcast_in_dim3A_49 : vector<512x1xf32> to vector<512x313xf32>
    %le3A_51 = arith.cmpf ole, %select_n3A_46, %le3A_50 : vector<512x313xf32>
    %jit3A_52 = arith.constant 3.000000e+38 : f32
    %broadcast_in_dim3A_53 = vector.broadcast %jit3A_52 : f32 to vector<512x313xf32>
    %select_n3A_54 = arith.select %le3A_51, %broadcast_in_dim3A_53, %select_n3A_46 : vector<512x313xi1>, vector<512x313xf32>
    %reduce_min3A_55 = arith.constant dense<0x7F800000> : vector<512xf32>
    %reduce_min3A_56 = vector.multi_reduction <minimumf>, %select_n3A_54, %reduce_min3A_55 [1] : vector<512x313xf32> to vector<512xf32>
    %broadcast_in_dim3A_57 = vector.shape_cast %reduce_min3A_56 : vector<512xf32> to vector<512x1xf32>
    %le3A_58 = vector.broadcast %broadcast_in_dim3A_57 : vector<512x1xf32> to vector<512x313xf32>
    %le3A_59 = arith.cmpf ole, %select_n3A_54, %le3A_58 : vector<512x313xf32>
    %jit3A_60 = arith.constant 3.000000e+38 : f32
    %broadcast_in_dim3A_61 = vector.broadcast %jit3A_60 : f32 to vector<512x313xf32>
    %select_n3A_62 = arith.select %le3A_59, %broadcast_in_dim3A_61, %select_n3A_54 : vector<512x313xi1>, vector<512x313xf32>
    %reduce_min3A_63 = arith.constant dense<0x7F800000> : vector<512xf32>
    %reduce_min3A_64 = vector.multi_reduction <minimumf>, %select_n3A_62, %reduce_min3A_63 [1] : vector<512x313xf32> to vector<512xf32>
    %broadcast_in_dim3A_65 = vector.shape_cast %reduce_min3A_64 : vector<512xf32> to vector<512x1xf32>
    %le3A_66 = vector.broadcast %broadcast_in_dim3A_65 : vector<512x1xf32> to vector<512x313xf32>
    %le3A_67 = arith.cmpf ole, %select_n3A_62, %le3A_66 : vector<512x313xf32>
    %jit3A_68 = arith.constant 3.000000e+38 : f32
    %broadcast_in_dim3A_69 = vector.broadcast %jit3A_68 : f32 to vector<512x313xf32>
    %select_n3A_70 = arith.select %le3A_67, %broadcast_in_dim3A_69, %select_n3A_62 : vector<512x313xi1>, vector<512x313xf32>
    %reduce_min3A_71 = arith.constant dense<0x7F800000> : vector<512xf32>
    %reduce_min3A_72 = vector.multi_reduction <minimumf>, %select_n3A_70, %reduce_min3A_71 [1] : vector<512x313xf32> to vector<512xf32>
    %broadcast_in_dim3A_73 = vector.shape_cast %reduce_min3A_72 : vector<512xf32> to vector<512x1xf32>
    %le3A_74 = vector.broadcast %broadcast_in_dim3A_73 : vector<512x1xf32> to vector<512x313xf32>
    %le3A_75 = arith.cmpf ole, %select_n3A_70, %le3A_74 : vector<512x313xf32>
    %jit3A_76 = arith.constant 3.000000e+38 : f32
    %broadcast_in_dim3A_77 = vector.broadcast %jit3A_76 : f32 to vector<512x313xf32>
    %select_n3A_78 = arith.select %le3A_75, %broadcast_in_dim3A_77, %select_n3A_70 : vector<512x313xi1>, vector<512x313xf32>
    %reduce_min3A_79 = arith.constant dense<0x7F800000> : vector<512xf32>
    %reduce_min3A_80 = vector.multi_reduction <minimumf>, %select_n3A_78, %reduce_min3A_79 [1] : vector<512x313xf32> to vector<512xf32>
    %broadcast_in_dim3A_81 = vector.shape_cast %reduce_min3A_80 : vector<512xf32> to vector<512x1xf32>
    %le3A_82 = vector.broadcast %broadcast_in_dim3A_81 : vector<512x1xf32> to vector<512x313xf32>
    %le3A_83 = arith.cmpf ole, %select_n3A_78, %le3A_82 : vector<512x313xf32>
    %jit3A_84 = arith.constant 3.000000e+38 : f32
    %broadcast_in_dim3A_85 = vector.broadcast %jit3A_84 : f32 to vector<512x313xf32>
    %select_n3A_86 = arith.select %le3A_83, %broadcast_in_dim3A_85, %select_n3A_78 : vector<512x313xi1>, vector<512x313xf32>
    %reduce_min3A_87 = arith.constant dense<0x7F800000> : vector<512xf32>
    %reduce_min3A_88 = vector.multi_reduction <minimumf>, %select_n3A_86, %reduce_min3A_87 [1] : vector<512x313xf32> to vector<512xf32>
    %broadcast_in_dim3A_89 = vector.shape_cast %reduce_min3A_88 : vector<512xf32> to vector<512x1xf32>
    %le3A_90 = vector.broadcast %broadcast_in_dim3A_89 : vector<512x1xf32> to vector<512x313xf32>
    %le3A_91 = arith.cmpf ole, %select_n3A_86, %le3A_90 : vector<512x313xf32>
    %jit3A_92 = arith.constant 3.000000e+38 : f32
    %broadcast_in_dim3A_93 = vector.broadcast %jit3A_92 : f32 to vector<512x313xf32>
    %select_n3A_94 = arith.select %le3A_91, %broadcast_in_dim3A_93, %select_n3A_86 : vector<512x313xi1>, vector<512x313xf32>
    %reduce_min3A_95 = arith.constant dense<0x7F800000> : vector<512xf32>
    %reduce_min3A_96 = vector.multi_reduction <minimumf>, %select_n3A_94, %reduce_min3A_95 [1] : vector<512x313xf32> to vector<512xf32>
    %broadcast_in_dim3A_97 = vector.shape_cast %reduce_min3A_96 : vector<512xf32> to vector<512x1xf32>
    %le3A_98 = vector.broadcast %broadcast_in_dim3A_97 : vector<512x1xf32> to vector<512x313xf32>
    %le3A_99 = arith.cmpf ole, %max3A_27, %le3A_98 : vector<512x313xf32>
    %mul3A_100 = arith.constant -2.000000e-02 : f32
    %mul3A_101 = vector.broadcast %mul3A_100 : f32 to vector<512x313xf32>
    %mul3A_102 = arith.mulf %max3A_27, %mul3A_101 : vector<512x313xf32>
    %exp3A = math.exp %mul3A_102 : vector<512x313xf32>
    %jit3A_103 = arith.constant 0.000000e+00 : f32
    %broadcast_in_dim3A_104 = vector.broadcast %jit3A_103 : f32 to vector<512x313xf32>
    %select_n3A_105 = arith.select %le3A_99, %exp3A, %broadcast_in_dim3A_104 : vector<512x313xi1>, vector<512x313xf32>
    %reduce_sum3A = arith.constant dense<0.000000e+00> : vector<512xf32>
    %reduce_sum3A_106 = vector.multi_reduction <add>, %select_n3A_105, %reduce_sum3A [1] : vector<512x313xf32> to vector<512xf32>
    %broadcast_in_dim3A_107 = vector.shape_cast %reduce_sum3A_106 : vector<512xf32> to vector<512x1xf32>
    %div3A = vector.broadcast %broadcast_in_dim3A_107 : vector<512x1xf32> to vector<512x313xf32>
    %div3A_108 = arith.divf %select_n3A_105, %div3A : vector<512x313xf32>
    %jit3A_109 = arith.constant 0.000000e+00 : f32
    %broadcast_in_dim3A_110 = vector.broadcast %jit3A_109 : f32 to vector<512x313xf32>
    %select_n3A_111 = arith.select %le3A_99, %div3A_108, %broadcast_in_dim3A_110 : vector<512x313xi1>, vector<512x313xf32>
    %swap3A = arith.constant 0 : index
    %swap3A_112 = arith.constant 0 : index
    %swap3A_113 = vector.load %arg3[%swap3A, %swap3A_112] : memref<512x313xf32, #tpu.memory_space<vmem>>, vector<512x313xf32>
    tpu.vector_store %arg3[%swap3A, %swap3A_112], %select_n3A_111 {strides = array<i32>} : memref<512x313xf32, #tpu.memory_space<vmem>>, vector<512x313xf32>,
    return
  }
  func.func @transform_0(%arg0: i32) -> (i32, i32) {
    %c0_i32 = arith.constant 0 : i32
    %c0_i32_0 = arith.constant 0 : i32
    return %arg0, %c0_i32 : i32, i32
  }
  func.func @transform_1(%arg0: i32) -> (i32, i32) {
    %c0_i32 = arith.constant 0 : i32
    %c0_i32_0 = arith.constant 0 : i32
    %c0_i32_1 = arith.constant 0 : i32
    return %c0_i32, %c0_i32_0 : i32, i32
  }
  func.func @transform_2(%arg0: i32) -> (i32, i32) {
    %c0_i32 = arith.constant 0 : i32
    %c0_i32_0 = arith.constant 0 : i32
    return %arg0, %c0_i32 : i32, i32
  }
}

</mosaic_0001>

<sc_bundles>
// kernel: sparse-core-data-format-call.cloned.1.call-start
scs
called_computation_lowered:
.L_overlay_start_0:
0x0: {  	s2 =	sld [smem:$0x3FD9]  }
0x1: {  	s3 =	sld [smem:$0x3FFE];
	_ =	sdelay $0x1  }
0x2: {  	s1 =	srdreg.scid  }
0x3: {  	s0 =	sand.u32 $0x1, s1  }
0x4: {  	s18 =	sshll.u32 s0, $0xA;
	s2 =	sadd.s32 s3, s2  }
0x5: {  	s2 =	sadd.s32 s2, s18  }
0x6: {  	[smem:$0x3FC6] =	sst s2  }
0x7: {  	_ = 	snop  }
0x8: {  	s2 =	sld [smem:$0x3FD0];
	(tm) =	ssettm $0x1  }
0x9: {  	s19 =	sld [smem:$0x3FFB];
	_ =	sdelay $0x3  }
0xa: {  	_ =	strace s19  }
0xb: {  	s3 =	sld [smem:$0x3FFC];
	_ =	sdelay $0x3  }
0xc: {  	_ =	strace s3  }
0xd: {  	s3 =	sld [smem:$0x3FFD];
	_ =	sdelay $0x3  }
0xe: {  	_ =	strace s3  }
0xf: {  	_ =	strace $0x8FFFFFFF  }
0x10: {  	s20 =	sld [smem:$0x3FDB];
	_ =	sdelay $0x1  }
0x11: {  	s4 =	simm.s32 $_scs_section_size  }
0x12: {  	s5 =	simm.s32 $_size__tile_overlayer_lowered;
	s6 =	simm.s32 $_tile_overlayer_lowered  }
0x13: {  	s23 =	simm.s32 $0x1BFF;
	s22 =	sshll.u32 s6, $0x1;
	s3 =	sadd.s32 s4, s20  }
0x14: {  	s7 =	simm.s32 $0x0;
	s21 =	sshll.u32 s5, $0x1;
	s5 =	sadd.s32 s22, s3  }
0x15: {  	[timem:s7], [sflag:s23] =	dma.local [hbm:s5], s21  }
0x16: {  	_ =	swait.ge [sflag:s23], s21  }
0x17: {  	s4 =	ssub.s32 $0x0, s21;
	[sflag:s23] =	ssyncset.done $0x0  }
0x18: {  	[sflag:s23] =	ssyncadd.s32 s4;
	_ =	sdelay $0x1  }
0x19: {  	s24 =	simm.s32 $0x1B8B  }
0x1a: {  	_ =	swait.ge [sflag:s24], $0x1  }
0x1b: {  	[sflag:s24] =	ssyncset.done $0x0  }
0x1c: {  	s26 =	simm.s32 $0x1B8E;
	s25 =	sld [smem:$0x3FFE];
	[sflag:s24] =	ssyncadd.s32 $0xFFFFFFFF  }
0x1d: {  	s27 =	simm.s32 $execute0_lowered;
	[smem:$0x3FD2] =	sst s26  }
0x1e: {  	s5 =	sshll.u32 s27, $0x1;
	_ =	strace $0x80000046;
	[dreg:$0x1] =	wrdreg $0xFFFFFFFF  }
0x1f: {  	s28 =	simm.s32 $_size_execute0_lowered;
	s3 =	sadd.s32 s3, s5;
	[dreg:$0x0] =	wrdreg $0x0  }
0x20: {  	s5 =	sshll.u32 s28, $0x1;
	[dreg:$0x2] =	wrdreg s3  }
0x21: {  	[dreg:$0x3] =	wrdreg s5  }
0x22: {  	[dreg:$0x4] =	wrdreg $0xC0  }
0x23: {  	_ =	task [dreg:s7], $0x5FFFF  }
0x24: {  	[dreg:$0x1] =	wrdreg $0xFFFFFFFF  }
0x25: {  	[dreg:$0x0] =	wrdreg $0x60  }
0x26: {  	[dreg:$0x2] =	wrdreg s25  }
0x27: {  	[dreg:$0x3] =	wrdreg s2  }
0x28: {  	[dreg:$0x4] =	wrdreg $0x9  }
0x29: {  	_ =	task.clear_ibuf [dreg:s7], $0x5FFFF;
	_ =	strace $0x90000046  }
0x2a: {  	s29 =	simm.s32 $0x9;
	_ =	strace $0x80000048  }
0x2b: {  	_ =	swait.ge [sflag:s29], $0x1  }
0x2c: {  	[sflag:s29] =	ssyncadd.s32 $0xFFFFFFFF  }
0x2d: {  	_ =	strace $0x90000048  }
0x2e: {  	_ =	sfence  }
0x2f: {  	s30 =	sld [smem:$0x0];
	_ =	sdelay $0x2  }
0x30: {  	s31 =	sshll.u32 s1, $0xD;
	s1 =	sshrl.u32 s1, $0x2  }
0x31: {  	s3 =	sand.u32 $0x4000, s31;
	s1 =	sadd.s32 s1, s30  }
0x32: {  	s0 =	sor.u32 s3, s0;
	s1 =	sshll.u32 s1, $0x11  }
0x33: {  	s0 =	sor.u32 s1, s0  }
0x34: {  	s0 =	sadd.s32 $0x8F2B, s0  }
0x35: {  	[sflag:s0] =	ssyncadd.remote.s32 $0x1  }
0x36: {  	_ =	sfence.sel $0xFFFF  }
0x37: {  	[dreg:$0x0] =	wrdreg $0xFFFFFFFF;
	(pc) =	sbr.abs _section_cstart, $3  }
0x38: {  	[dreg:$0x1] =	wrdreg $0xFFFFFFFF  }
0x39: {  	_ =	task.clear_ibuf [dreg:s7], $0x2FFFF;
	_ =	strace $0x9FFFFFFF  }
0x3a: {  	(tm) =	ssettm $0x7FFFFFFF  }
0x3b: {  	_ =	shalt  }
tec
execute0_lowered:
.L_overlay_start_1:
0x0: {  	(tag) =	ssettag $0x1  }
0x1: {  	s3 =	rddreg [dreg:$0x0]  }
0x2: {  	s0 =	srdreg.scid;
	s2 =	rddreg [dreg:$0x1]  }
0x3: {  	s7 =	simm.s32 $0x2;
	s17 =	simm.s32 $0x0;
	p0 =	por $0x0, $0x0  }
0x4: {  	s8 =	simm.s32 $0x10000;
	s16 =	simm.s32 $0x0;
	s0 =	sshll.u32 s0, $0x7  }
0x5: {  	s18 =	simm.s32 $0x0;
	s9 =	simm.s32 $0x0;
	s1 =	sand.u32 $0x80, s0  }
0x6: {  	s10 =	simm.s32 $0x0;
	s11 =	simm.s32 $0x0;
	s4 =	ssub.s32 $0x1000, s1  }
0x7: {  	s12 =	simm.s32 $0x0;
	s14 =	stileid.u32;
	s5 =	sshrl.u32 s4, $0x7  }
.Ltmp0:
0x8: {  	s6 =	sshrl.u32 s4, $0x8;
	s5 =	sand.u32 $0x1, s5;
	(pc) =	sbr.rel .LBB1_1-.Ltmp0, $4  }
0x9: {  	s15 =	simm.s32 $0x0;
	s0 =	rddreg [dreg:$0x2];
	s5 =	sadd.s32 s6, s5  }
0xa: {  	_ =	strace $0x80000047;
	s4 =	simm.s32 $0x1;
	s5 =	smul.u32 $0x3, s5  }
0xb: {  	s13 =	smov.u32 s1;
	[sflag:s4] =	ssyncpa.u1 $0x0;
	s6 =	sadd.s32 $0x600, s3  }
0xc: {  	s3 =	stileid.u32;
	[sflag:s7] =	ssyncpa.u1 $0x0;
	s7 =	sadd.s32 $0x1, s5  }
.LBB1_4:
0xd: {  	s23 =	sshra.s32 s23, $0x2  }
0xe: {  	s28 =	sand.u32 $0x78, s10;
	s24 =	sshll.u32 s11, $0x7;
	p1 =	sgt.s32 s11, $0xF  }
0xf: {  	s25 =	smov.u32 s11;
	s26 =	sshra.s32 s11, $0x1F;
	s27 =	smov.u32 s9  }
0x10: {  	s30 =	sshll.u32 s11, $0xC;
	s31 =	sshra.s32 s9, $0x1F;
	s22 =	sadd.s32 s23, s22  }
0x11: {  	s24 =	sand.u32 $0x380, s24;
	s25 =	simm.s32 @!p1 $0xF;
	p1 =	sgt.s32 s9, $0xB9  }
0x12: {  	s26 =	sand.u32 s26, s11;
	s23 =	sor.u32 s24, s28;
	s27 =	simm.s32 @!p1 $0xB9  }
0x13: {  	s24 =	ssub.s32 s25, s26;
	p1 =	sgt.s32 s10, $0xF80;
	s26 =	smov.u32 s10  }
0x14: {  	v5 =	vld [tilespmem:s20+$0xFFFFFFD0];
	[tilespmem:s21+$0x2040 ss:$0x81] =	vst.msk $0xffff, v4;
	s28 =	sshra.s32 s10, $0x1F;
	s25 =	sadd.s32 $0xFFFFFFF1, s24;
	s26 =	simm.s32 @!p1 $0xF80  }
0x15: {  	v58 =	vld [tilespmem:s20+$0xFFFFFFE0];
	[tilespmem:s21+$0x2850 ss:$0x81] =	vst.msk $0xffff, v3;
	s29 =	sand.u32 s28, s10;
	s28 =	sand.u32 $0x8000, s30;
	s24 =	ssub.s32 $0x10, s24  }
0x16: {  	v59 =	vld [tilespmem:s20+$0xFFFFFFF0];
	[tilespmem:s21+$0x3060 ss:$0x81] =	vst.msk $0xffff, v2;
	p1 =	sgt.s32 s25, $0x0;
	s25 =	ssub.s32 s26, s29;
	s26 =	sand.u32 s31, s9  }
0x17: {  	[tilespmem:s21+$0x0 ss:$0x81] =	vst.msk $0xffff, v1;
	v60 =	vld [tilespmem:s20+$0x0];
	s30 =	sshll.u32 s10, $0x3;
	s21 =	ssub.s32 s27, s26;
	s24 =	simm.s32 @p1 $0x0  }
0x18: {  	v61 =	vld [tilespmem:s20+$0x10];
	[tilespmem:s22+$0x3870 ss:$0x81] =	vst.msk $0xffff, v0;
	s27 =	sadd.s32 $0xFFFFF080, s25;
	s25 =	ssub.s32 $0x1000, s25;
	s26 =	sadd.s32 s28, s30  }
0x19: {  	v62 =	vld [tilespmem:s20+$0x20];
	[tilespmem:s22+$0x810 ss:$0x81] =	vst.msk $0xffff, v5;
	p1 =	sgt.s32 s27, $0x7F;
	s29 =	sadd.s32 $0xFFFFFF47, s21;
	s21 =	ssub.s32 $0x139, s21  }
0x1a: {  	v63 =	vld [tilespmem:s20+$0xFFFFFFC0];
	[tilespmem:s22+$0x1020 ss:$0x81] =	vst.msk $0xffff, v58;
	s27 =	sshll.u32 s9, $0xD;
	s28 =	sshrl.u32 s26, $0x3;
	s25 =	simm.s32 @p1 $0x0  }
0x1b: {  	[tilespmem:s22+$0x1830 ss:$0x81] =	vst.msk $0xffff, v59;
	p1 =	sgt.s32 s29, $0x7F;
	s29 =	sand.u32 $0x7, s10;
	s31 =	smul.u32 s24, s25  }
0x1c: {  	[tilespmem:s22+$0x2040 ss:$0x81] =	vst.msk $0xffff, v60;
	s25 =	sand.u32 $0xC00, s30;
	s21 =	simm.s32 @p1 $0x0;
	s24 =	sand.u32 $0x1E00, s28  }
0x1d: {  	[tilespmem:s22+$0x2850 ss:$0x81] =	vst.msk $0xffff, v61;
	s23 =	sor.u32 s25, s23;
	s20 =	smul.u32 s21, s31;
	s21 =	sadd.s32 s2, s27  }
0x1e: {  	[tilespmem:s22+$0x3060 ss:$0x81] =	vst.msk $0xffff, v62;
	s30 =	sshll.u32 s29, $0x12;
	s23 =	sshrl.u32 s23, $0x3;
	s21 =	sadd.s32 s24, s21  }
0x1f: {  	[tilespmem:s22+$0x0 ss:$0x81] =	vst.msk $0xffff, v63;
	s31 =	sor.u32 $0x80, s30;
	s20 =	sand.u32 $0x3FFFFFFF, s20;
	s21 =	sadd.s32 s23, s21  }
0x20: {  	[hbm4b:s21+s31] =	stream.strided.scatter [tilespmem:s19], [sflag:$0x2], s20, s8, s31, $0x20;
	[tilespmem:$0x10100] =	vst v63  }
.LBB1_5:
0x21: {  	p1 =	slt.u32 s15, $0x2;
	s20 =	smov.u32 s18  }
0x22: {  	p2 =	sgt.s32 @!p1 s17, $0xB9;
	s19 =	sshra.s32 @!p1 s17, $0x1F;
	p3 =	sgt.s32 @!p1 s18, $0xF  }
0x23: {  	s21 =	sshra.s32 @!p1 s18, $0x1F;
	p2 =	por !p2, p1;
	s19 =	sand.u32 @!p1 s19, s17  }
0x24: {  	p3 =	por !p3, p1;
	s18 =	sand.u32 @!p1 s21, s18;
	s21 =	sshra.s32 @!p1 s16, $0x1F  }
0x25: {  	s20 =	simm.s32 @p3 $0xF;
	p3 =	sgt.s32 @!p1 s16, $0xF80;
	s17 =	simm.s32 @p2 $0xB9  }
0x26: {  	s18 =	ssub.s32 @!p1 s20, s18;
	p3 =	por !p3, p1;
	s20 =	smov.u32 s16  }
0x27: {  	s16 =	sand.u32 @!p1 s21, s16;
	s17 =	ssub.s32 @!p1 s17, s19;
	s20 =	simm.s32 @p3 $0xF80  }
0x28: {  	s19 =	sadd.s32 @!p1 $0xFFFFFFF1, s18;
	s18 =	ssub.s32 @!p1 $0x10, s18;
	s16 =	ssub.s32 @!p1 s20, s16  }
0x29: {  	s20 =	sadd.s32 @!p1 $0xFFFFFF47, s17;
	p2 =	sgt.s32 @!p1 s19, $0x0;
	s19 =	sadd.s32 @!p1 $0xFFFFF080, s16  }
0x2a: {  	s17 =	ssub.s32 @!p1 $0x139, s17;
	p2 =	por !p2, p1;
	p3 =	sgt.s32 @!p1 s19, $0x7F  }
0x2b: {  	s16 =	ssub.s32 @!p1 $0x1000, s16;
	s18 =	simm.s32 @!p2 $0x0;
	p2 =	por !p3, p1  }
0x2c: {  	s19 =	sadd.s32 $0x80, s12;
	p3 =	sgt.s32 @!p1 s20, $0x7F;
	s16 =	simm.s32 @!p2 $0x0  }
0x2d: {  	s20 =	smov.u32 s13;
	p2 =	por !p3, p1;
	s16 =	smul.u32 @!p1 s18, s16  }
0x2e: {  	s17 =	simm.s32 @!p2 $0x0;
	p2 =	sgt.s32 s19, $0x138;
	s18 =	sadd.s32 $0x100, s13  }
0x2f: {  	s21 =	smov.u32 s14;
	s20 =	smov.u32 @p2 s18  }
0x30: {  	s16 =	smul.u32 @!p1 s17, s16;
	p3 =	sgt.s32 s20, $0xFFF;
	s17 =	sadd.s32 $0x10, s14  }
0x31: {  	p0 =	por !p0, !p0;
	s22 =	simm.s32 @!p1 $0x2;
	s21 =	smov.u32 @p3 s17  }
0x32: {  	s19 =	simm.s32 @p2 $0x0;
	s18 =	smov.u32 s11;
	p2 =	sgt.s32 s21, $0xF  }
0x33: {  	s11 =	smov.u32 s14;
	s21 =	smov.u32 @p2 s3;
	p2 =	sne.s32 s15, s7  }
.Ltmp1:
0x34: {  	s20 =	smov.u32 @p3 s1;
	s17 =	smov.u32 s9;
	(pc) =	sbr.rel @!p2 .LBB1_6-.Ltmp1, $4  }
0x35: {  	s9 =	smov.u32 s12;
	s12 =	smov.u32 s19;
	s16 =	sand.u32 @!p1 $0x3FFFFFFF, s16  }
0x36: {  	_ =	swait.ge @!p1 [sflag:s22], s16;
	s23 =	ssub.s32 @!p1 $0x0, s16;
	s16 =	smov.u32 s10  }
0x37: {  	s15 =	sadd.s32 $0x1, s15;
	s10 =	smov.u32 s13;
	[sflag:s22] =	ssyncset.done @!p1 $0x0  }
0x38: {  	s13 =	smov.u32 s20;
	s14 =	smov.u32 s21;
	[sflag:s22] =	ssyncadd.s32 @!p1 s23  }
.LBB1_1:
0x39: {  	p1 =	sge.u32 s15, s5  }
0x3a: {  	s19 =	sshrl.u32 @!p1 s13, $0x3  }
0x3b: {  	s20 =	sshll.u32 @!p1 s12, $0x3;
	s19 =	smul.u32 @!p1 $0xC00, s19  }
0x3c: {  	s21 =	sshll.u32 @!p1 s13, $0x7;
	s20 =	sand.u32 @!p1 $0xFFFFFC00, s20  }
0x3d: {  	s19 =	sadd.s32 @!p1 s19, s20;
	s20 =	sand.u32 @!p1 $0x380, s21  }
0x3e: {  	s21 =	sand.u32 @!p1 $0x7F, s12;
	s19 =	sor.u32 @!p1 s20, s19  }
0x3f: {  	s20 =	sor.u32 @!p1 s21, s19  }
0x40: {  	s21 =	smulhi.u32 @!p1 $0xAAAAAAAB, s20  }
0x41: {  	s19 =	smulhi.u32 @!p1 $0xAAAAAAAB, s19  }
0x42: {  	s21 =	sshrl.u32 @!p1 s21, $0x8  }
0x43: {  	s31 =	sadd.s32 $0xFFFFFFFF, s15;
	s19 =	sshrl.u32 @!p1 s19, $0x8;
	s21 =	smul.u32 @!p1 $0x180, s21  }
0x44: {  	s22 =	sxor.u32 @!p1 $0xFFFFFFFF, s15;
	s23 =	smul.u32 @!p1 $0x30000, s14;
	s19 =	sand.u32 @!p1 $0xFFF, s19  }
0x45: {  	s22 =	sshll.u32 @!p1 s22, $0xE;
	s19 =	smul.u32 @!p1 $0x30, s19;
	s20 =	ssub.s32 @!p1 s20, s21  }
0x46: {  	s21 =	sand.u32 @!p1 $0x4000, s22;
	s22 =	sadd.s32 @!p1 s6, s23;
	s23 =	sand.u32 @!p1 $0x7, s20  }
0x47: {  	s20 =	sshrl.u32 @!p1 s20, $0x3;
	s19 =	sadd.s32 @!p1 s19, s22;
	s22 =	sshll.u32 @!p1 s23, $0x12  }
0x48: {  	s19 =	sadd.s32 @!p1 s20, s19;
	s20 =	sor.u32 @!p1 $0x400, s22;
	s22 =	simm.s32 @!p1 $0xC00  }
0x49: {  	[tilespmem:s21], [sflag:$0x1] =	stream.strided.gather @!p1 [hbm4b:s19+s20], $0x4000, s22, s20, $0x38;
	[tilespmem:$0x10100] =	vst v63  }
0x4a: {  	p1 =	sge.u32 s31, s5  }
.Ltmp2:
0x4b: {  	_ = 	snop;
	(pc) =	sbr.rel @p1 .LBB1_5-.Ltmp2, $1  }
0x4c: {  	_ =	sdelay $0x3  }
0x4d: {  	s19 =	simm.s32 $0x1  }
0x4e: {  	_ =	swait.ge [sflag:s4], $0x4000;
	s19 =	simm.s32 @!p0 $0x0  }
0x4f: {  	[sflag:s4] =	ssyncset.done $0x0;
	s20 =	sshll.u32 s19, $0xE  }
0x50: {  	[sflag:s4] =	ssyncadd.s32 $0xFFFFC000;
	s20 =	sor.u32 $0x40, s20  }
0x51: {  	s19 =	smul.u32 $0x10200, s19;
	v0 =	vld [tilespmem:s20+$0x30]  }
0x52: {  	v1 =	vld [tilespmem:s20+$0xFFFFFFD0]  }
0x53: {  	s19 =	sshrl.u32 s19, $0x2;
	v5 =	vld [tilespmem:s20+$0xFFFFFFE0]  }
0x54: {  	v6 =	vld [tilespmem:s20+$0xFFFFFFF0];
	s22 =	sor.u32 $0x8000, s19  }
0x55: {  	s31 =	sand.u32 $0x1, s15;
	v4 =	vld [tilespmem:s20+$0x0];
	s21 =	sadd.s32 $0x0, s22  }
0x56: {  	v3 =	vld [tilespmem:s20+$0x10];
	s19 =	smul.u32 $0x10200, s31;
	[tilespmem:s21+$0x3870 ss:$0x81] =	vst.msk $0xffff, v0  }
0x57: {  	v2 =	vld [tilespmem:s20+$0x20];
	[tilespmem:s21+$0x810 ss:$0x81] =	vst.msk $0xffff, v1  }
0x58: {  	s19 =	sshrl.u32 s19, $0x2;
	v1 =	vld [tilespmem:s20+$0xFFFFFFC0];
	[tilespmem:s21+$0x1020 ss:$0x81] =	vst.msk $0xffff, v5;
	s20 =	sadd.s32 $0x80, s20  }
0x59: {  	s23 =	simm.s32 $0x4;
	s24 =	simm.s32 $0x8;
	s19 =	sor.u32 $0x8000, s19;
	[tilespmem:s21+$0x1830 ss:$0x81] =	vst.msk $0xffff, v6;
	v0 =	vld [tilespmem:s20+$0x30]  }
.LBB1_3:
0x5a: {  	p1 =	sne.s32 s24, $0x1FC;
	v5 =	vld [tilespmem:s20+$0xFFFFFFD0];
	[tilespmem:s21+$0x2040 ss:$0x81] =	vst.msk $0xffff, v4  }
0x5b: {  	v6 =	vld [tilespmem:s20+$0xFFFFFFE0];
	[tilespmem:s21+$0x2850 ss:$0x81] =	vst.msk $0xffff, v3  }
0x5c: {  	s25 =	sshra.s32 s23, $0x2;
	s23 =	smov.u32 s24;
	v7 =	vld [tilespmem:s20+$0xFFFFFFF0];
	[tilespmem:s21+$0x3060 ss:$0x81] =	vst.msk $0xffff, v2  }
.Ltmp3:
0x5d: {  	v4 =	vld [tilespmem:s20+$0x0];
	[tilespmem:s21+$0x0 ss:$0x81] =	vst.msk $0xffff, v1;
	s21 =	sadd.s32 s25, s22;
	(pc) =	sbr.rel @p1 .LBB1_3-.Ltmp3, $4  }
0x5e: {  	v3 =	vld [tilespmem:s20+$0x10];
	[tilespmem:s21+$0x3870 ss:$0x81] =	vst.msk $0xffff, v0  }
0x5f: {  	[tilespmem:s21+$0x810 ss:$0x81] =	vst.msk $0xffff, v5;
	v2 =	vld [tilespmem:s20+$0x20]  }
0x60: {  	v1 =	vld [tilespmem:s20+$0xFFFFFFC0];
	[tilespmem:s21+$0x1020 ss:$0x81] =	vst.msk $0xffff, v6;
	s20 =	sadd.s32 $0x80, s20  }
0x61: {  	s24 =	sadd.s32 $0x4, s24;
	v0 =	vld [tilespmem:s20+$0x30];
	[tilespmem:s21+$0x1830 ss:$0x81] =	vst.msk $0xffff, v7  }
.Ltmp4:
0x62: {  	_ = 	snop;
	(pc) =	sbr.rel .LBB1_4-.Ltmp4, $1  }
0x63: {  	_ =	sdelay $0x3  }
.LBB1_6:
0x64: {  	_ =	sfence.sel $0x180000  }
0x65: {  	s1 =	simm.s32 $0x1;
	[bflag:$0x0] =	sbarrier.arrive $0xFFFF  }
0x66: {  	s31 =	simm.s32 $0x2;
	[sflag:s1] =	ssyncpa.u1 $0x1  }
0x67: {  	[sflag:s31] =	ssyncpa.u1 $0x1  }
0x68: {  	p0 =	sne.s32 s3, $0x0;
	_ =	strace $0x90000047  }
0x69: {  	s0 =	sadd.s32 @!p0 $0x100000, s0;
	[bflag:$0x2] =	sbarrier.arrive $0xFFFF  }
0x6a: {  	[sflag:s0] =	ssyncadd.tile.s32 @!p0 $0x1;
	_ =	shalt  }
.Lfunc_end1:
_tile_overlayer_lowered:
.L_overlay_start_2:
0x6b: {  	(tag) =	ssettag $0x2  }
0x6c: {  	s0 =	rddreg [dreg:$0x0];
	s2 =	stileid.u32  }
0x6d: {  	s1 =	rddreg [dreg:$0x1];
	p0 =	sne.s32 s2, $0x0  }
0x6e: {  	s3 =	rddreg [dreg:$0x2];
	[bflag:$0x3] =	sbarrier.arrive $0xFFFF;
	s2 =	simm.s32 @!p0 $0x1C01  }
0x6f: {  	[timem:s3], [sflag:s2] =	dma.local @!p0 [hbm:s0], s1  }
0x70: {  	s0 =	simm.s32 @!p0 $0x1  }
0x71: {  	_ =	swait.ge @!p0 [sflag:s0], s1  }
0x72: {  	s1 =	ssub.s32 @!p0 $0x0, s1;
	[sflag:s0] =	ssyncset.done @!p0 $0x0  }
0x73: {  	[sflag:s0] =	ssyncadd.s32 @!p0 s1  }
0x74: {  	[bflag:$0x3] =	sbarrier.arrive $0xFFFF  }
0x75: {  	_ =	shalt  }

</sc_bundles>
